<compile_context>
chip_gen: v7x
topology: tpu7x:2x2x1
jax: 0.10.2.dev20260603
libtpu: 0.0.44.dev20260713+nightly
codegen_flags: <defaults>
</compile_context>

<pallas_src>
import jax
import jax.numpy as jnp
from jax.experimental import pallas as pl
from jax.experimental.pallas import tpu as pltpu

B, T, D_NUM = 16, 2048, 256
MASK_D = 32
LAB_DIM = 16
STRAIN_DIM = 8
D_OUT = D_NUM + 4 * MASK_D + LAB_DIM + 2 * STRAIN_DIM

TILE_R = 2048
STEPS_PER_B = T // TILE_R


def _body(lab_sref, astr_sref, tstr_sref,
          num_ref, ax_ref, ay_ref, tx_ref, ty_ref,
          mean_ref, std_ref, lab_tab_ref, strain_tab_ref,
          out_ref):
    b = pl.program_id(0) // STEPS_PER_B
    normed = (num_ref[...] - mean_ref[0]) / std_ref[0]
    lab_vec = lab_tab_ref[pl.ds(lab_sref[b], 1), :]
    s1_vec = strain_tab_ref[pl.ds(astr_sref[b], 1), :]
    s2_vec = strain_tab_ref[pl.ds(tstr_sref[b], 1), :]
    out_ref[...] = jnp.concatenate(
        [
            normed,
            ax_ref[...], ay_ref[...], tx_ref[...], ty_ref[...],
            jnp.broadcast_to(lab_vec, (TILE_R, LAB_DIM)),
            jnp.broadcast_to(s1_vec, (TILE_R, STRAIN_DIM)),
            jnp.broadcast_to(s2_vec, (TILE_R, STRAIN_DIM)),
        ],
        axis=-1,
    )


def kernel(numeric_feats, agent_x_mask, agent_y_mask, target_x_mask,
           target_y_mask, lab_idx, agent_strain_idx, target_strain_idx,
           mean, std, emb_lab, emb_strain):
    lab_idx = lab_idx.astype(jnp.int32)
    agent_strain_idx = agent_strain_idx.astype(jnp.int32)
    target_strain_idx = target_strain_idx.astype(jnp.int32)
    mean2 = mean.reshape(1, D_NUM)
    std2 = std.reshape(1, D_NUM)
    n_rows = B * T
    num2 = numeric_feats.reshape(n_rows, D_NUM)
    ax2 = agent_x_mask.reshape(n_rows, MASK_D)
    ay2 = agent_y_mask.reshape(n_rows, MASK_D)
    tx2 = target_x_mask.reshape(n_rows, MASK_D)
    ty2 = target_y_mask.reshape(n_rows, MASK_D)

    grid_spec = pltpu.PrefetchScalarGridSpec(
        num_scalar_prefetch=3,
        grid=(n_rows // TILE_R,),
        in_specs=[
            pl.BlockSpec((TILE_R, D_NUM), lambda i, *_: (i, 0)),
            pl.BlockSpec((TILE_R, MASK_D), lambda i, *_: (i, 0)),
            pl.BlockSpec((TILE_R, MASK_D), lambda i, *_: (i, 0)),
            pl.BlockSpec((TILE_R, MASK_D), lambda i, *_: (i, 0)),
            pl.BlockSpec((TILE_R, MASK_D), lambda i, *_: (i, 0)),
            pl.BlockSpec((1, D_NUM), lambda i, *_: (0, 0)),
            pl.BlockSpec((1, D_NUM), lambda i, *_: (0, 0)),
            pl.BlockSpec(emb_lab.shape, lambda i, *_: (0, 0)),
            pl.BlockSpec(emb_strain.shape, lambda i, *_: (0, 0)),
        ],
        out_specs=pl.BlockSpec((TILE_R, D_OUT), lambda i, *_: (i, 0)),
    )

    out = pl.pallas_call(
        _body,
        grid_spec=grid_spec,
        out_shape=jax.ShapeDtypeStruct((n_rows, D_OUT), jnp.float32),
        compiler_params=pltpu.CompilerParams(
            dimension_semantics=("parallel",)),
    )(lab_idx, agent_strain_idx, target_strain_idx,
      num2, ax2, ay2, tx2, ty2, mean2, std2, emb_lab, emb_strain)
    return out.reshape(B, T, D_OUT)

# --- scband reference (transcript-rebuilt; emitter-appended) ---
"""Pipeline reference for scband-features-finalizer-82437602280166 (READ-ONLY COPY).

The authoritative reference and input builder live on the scoring server;
editing this copy changes nothing except your own understanding.
"""

import jax, jax.numpy as jnp
import numpy as np

B, T, D_NUM = 16, 2048, 256
MASK_D = 32
LAB_VOCAB, LAB_DIM = 24, 16
STRAIN_VOCAB, STRAIN_DIM = 10, 8


def setup_inputs(seed: int = 0) -> dict:
    key = jax.random.key(seed)
    ks = jax.random.split(key, 12)
    return {
        "numeric_feats": jax.random.normal(ks[0], (B, T, D_NUM), dtype=jnp.float32),
        "agent_x_mask": jax.random.uniform(ks[1], (B, T, MASK_D), dtype=jnp.float32),
        "agent_y_mask": jax.random.uniform(ks[2], (B, T, MASK_D), dtype=jnp.float32),
        "target_x_mask": jax.random.uniform(ks[3], (B, T, MASK_D), dtype=jnp.float32),
        "target_y_mask": jax.random.uniform(ks[4], (B, T, MASK_D), dtype=jnp.float32),
        "lab_idx": jax.random.randint(ks[5], (B,), 0, LAB_VOCAB, dtype=jnp.int32).astype(jnp.int64),
        "agent_strain_idx": jax.random.randint(ks[6], (B,), 0, STRAIN_VOCAB, dtype=jnp.int32).astype(jnp.int64),
        "target_strain_idx": jax.random.randint(ks[7], (B,), 0, STRAIN_VOCAB, dtype=jnp.int32).astype(jnp.int64),
        "mean": jax.random.normal(ks[8], (D_NUM,), dtype=jnp.float32),
        "std": jax.random.uniform(ks[9], (D_NUM,), dtype=jnp.float32) + 0.5,
        "emb_lab": jax.random.normal(ks[10], (LAB_VOCAB, LAB_DIM), dtype=jnp.float32) * 0.02,
        "emb_strain": jax.random.normal(ks[11], (STRAIN_VOCAB, STRAIN_DIM), dtype=jnp.float32) * 0.02,
    }


def reference(numeric_feats, agent_x_mask, agent_y_mask, target_x_mask, target_y_mask,
              lab_idx, agent_strain_idx, target_strain_idx,
              mean, std, emb_lab, emb_strain):
    # normalize handcrafted numeric features
    numeric = (numeric_feats - mean) / std
    b, t, _ = numeric.shape
    chunks = [numeric]
    # include_masks: agent/target x/y masks cast to float and concatenated
    chunks.append(agent_x_mask.astype(numeric.dtype))
    chunks.append(agent_y_mask.astype(numeric.dtype))
    chunks.append(target_x_mask.astype(numeric.dtype))
    chunks.append(target_y_mask.astype(numeric.dtype))
    # sorted(cat_embeddings.keys()) == ['lab', 'strain']
    # 'lab' is a VIDEO categorical feature -> single key 'lab_idx'
    lab_vec = jnp.take(emb_lab, lab_idx.reshape(b), axis=0)  # [B, LAB_DIM]
    chunks.append(jnp.broadcast_to(lab_vec[:, None, :], (b, t, lab_vec.shape[-1])).astype(numeric.dtype))
    # 'strain' is a MOUSE categorical feature -> agent_/target_ keys
    for idx in (agent_strain_idx, target_strain_idx):
        v = jnp.take(emb_strain, idx.reshape(b), axis=0)  # [B, STRAIN_DIM]
        chunks.append(jnp.broadcast_to(v[:, None, :], (b, t, v.shape[-1])).astype(numeric.dtype))
    feats = jnp.concatenate(chunks, axis=-1)
    return feats

if __name__ == "__main__":
    import jax
    _d = setup_inputs()
    print(jax.jit(kernel)(*tuple(_d.values())))

</pallas_src>

<mosaic_0001>
module attributes {stable_mosaic.version = 14 : i64} {
  func.func @_body(%arg0: i32, %arg1: memref<16xi32, #tpu.memory_space<smem>>, %arg2: memref<16xi32, #tpu.memory_space<smem>>, %arg3: memref<16xi32, #tpu.memory_space<smem>>, %arg4: memref<2048x256xf32, #tpu.memory_space<vmem>>, %arg5: memref<2048x32xf32, #tpu.memory_space<vmem>>, %arg6: memref<2048x32xf32, #tpu.memory_space<vmem>>, %arg7: memref<2048x32xf32, #tpu.memory_space<vmem>>, %arg8: memref<2048x32xf32, #tpu.memory_space<vmem>>, %arg9: memref<1x256xf32, #tpu.memory_space<vmem>>, %arg10: memref<1x256xf32, #tpu.memory_space<vmem>>, %arg11: memref<24x16xf32, #tpu.memory_space<vmem>>, %arg12: memref<10x8xf32, #tpu.memory_space<vmem>>, %arg13: memref<2048x416xf32, #tpu.memory_space<vmem>>) attributes {dimension_semantics = [#tpu.dimension_semantics<parallel>], iteration_bounds = array<i64: 16>, scalar_prefetch = 3 : i64, scratch_operands = 0 : i64, tpu.core_type = #tpu.core_type<tc>, window_params = [{transform_indices = @transform_0, window_bounds = array<i64: 2048, 256>}, {transform_indices = @transform_1, window_bounds = array<i64: 2048, 32>}, {transform_indices = @transform_2, window_bounds = array<i64: 2048, 32>}, {transform_indices = @transform_3, window_bounds = array<i64: 2048, 32>}, {transform_indices = @transform_4, window_bounds = array<i64: 2048, 32>}, {pipeline_mode = #tpu.pipeline_mode<synchronous>, transform_indices = @transform_5, window_bounds = array<i64: 1, 256>}, {pipeline_mode = #tpu.pipeline_mode<synchronous>, transform_indices = @transform_6, window_bounds = array<i64: 1, 256>}, {pipeline_mode = #tpu.pipeline_mode<synchronous>, transform_indices = @transform_7, window_bounds = array<i64: 24, 16>}, {pipeline_mode = #tpu.pipeline_mode<synchronous>, transform_indices = @transform_8, window_bounds = array<i64: 10, 8>}, {transform_indices = @transform_9, window_bounds = array<i64: 2048, 416>}]} {
    %jit3A = arith.constant 1 : i32
    %div3A = arith.divsi %arg0, %jit3A : i32
    %sign3A = arith.constant 0 : i32
    %sign3A_0 = arith.cmpi sgt, %arg0, %sign3A : i32
    %sign3A_1 = arith.extui %sign3A_0 : i1 to i32
    %sign3A_2 = arith.constant 0 : i32
    %sign3A_3 = arith.cmpi slt, %arg0, %sign3A_2 : i32
    %sign3A_4 = arith.extui %sign3A_3 : i1 to i32
    %sign3A_5 = arith.subi %sign3A_1, %sign3A_4 : i32
    %sign3A_6 = arith.constant 0 : i32
    %sign3A_7 = arith.cmpi sgt, %jit3A, %sign3A_6 : i32
    %sign3A_8 = arith.extui %sign3A_7 : i1 to i32
    %sign3A_9 = arith.constant 0 : i32
    %sign3A_10 = arith.cmpi slt, %jit3A, %sign3A_9 : i32
    %sign3A_11 = arith.extui %sign3A_10 : i1 to i32
    %sign3A_12 = arith.subi %sign3A_8, %sign3A_11 : i32
    %ne3A = arith.cmpi ne, %sign3A_5, %sign3A_12 : i32
    %rem3A = arith.remsi %arg0, %jit3A : i32
    %ne3A_13 = arith.constant 0 : i32
    %ne3A_14 = arith.cmpi ne, %rem3A, %ne3A_13 : i32
    %and3A = arith.andi %ne3A, %ne3A_14 : i1
    %sub3A = arith.constant 1 : i32
    %sub3A_15 = arith.subi %div3A, %sub3A : i32
    %select_n3A = arith.select %and3A, %sub3A_15, %div3A : i32
    %get3A = arith.constant 0 : index
    %get3A_16 = arith.constant 0 : index
    %get3A_17 = vector.load %arg4[%get3A, %get3A_16] : memref<2048x256xf32, #tpu.memory_space<vmem>>, vector<2048x256xf32>
    %get3A_18 = arith.constant 0 : index
    %get3A_19 = arith.constant 0 : index
    %get3A_20 = vector.load %arg9[%get3A_18, %get3A_19] : memref<1x256xf32, #tpu.memory_space<vmem>>, vector<1x256xf32>
    %get3A_21 = vector.shape_cast %get3A_20 : vector<1x256xf32> to vector<256xf32>
    %broadcast_in_dim3A = vector.shape_cast %get3A_21 : vector<256xf32> to vector<1x256xf32>
    %sub3A_22 = vector.broadcast %broadcast_in_dim3A : vector<1x256xf32> to vector<2048x256xf32>
    %sub3A_23 = arith.subf %get3A_17, %sub3A_22 : vector<2048x256xf32>
    %get3A_24 = arith.constant 0 : index
    %get3A_25 = arith.constant 0 : index
    %get3A_26 = vector.load %arg10[%get3A_24, %get3A_25] : memref<1x256xf32, #tpu.memory_space<vmem>>, vector<1x256xf32>
    %get3A_27 = vector.shape_cast %get3A_26 : vector<1x256xf32> to vector<256xf32>
    %broadcast_in_dim3A_28 = vector.shape_cast %get3A_27 : vector<256xf32> to vector<1x256xf32>
    %div3A_29 = vector.broadcast %broadcast_in_dim3A_28 : vector<1x256xf32> to vector<2048x256xf32>
    %div3A_30 = arith.divf %sub3A_23, %div3A_29 : vector<2048x256xf32>
    %get3A_31 = arith.index_cast %select_n3A : i32 to index
    %get3A_32 = memref.load %arg1[%get3A_31] : memref<16xi32, #tpu.memory_space<smem>>
    %get3A_33 = arith.index_cast %get3A_32 : i32 to index
    %get3A_34 = arith.constant 0 : index
    %get3A_35 = vector.load %arg11[%get3A_33, %get3A_34] : memref<24x16xf32, #tpu.memory_space<vmem>>, vector<1x16xf32>
    %get3A_36 = arith.index_cast %select_n3A : i32 to index
    %get3A_37 = memref.load %arg2[%get3A_36] : memref<16xi32, #tpu.memory_space<smem>>
    %get3A_38 = arith.index_cast %get3A_37 : i32 to index
    %get3A_39 = arith.constant 0 : index
    %get3A_40 = vector.load %arg12[%get3A_38, %get3A_39] : memref<10x8xf32, #tpu.memory_space<vmem>>, vector<1x8xf32>
    %get3A_41 = arith.index_cast %select_n3A : i32 to index
    %get3A_42 = memref.load %arg3[%get3A_41] : memref<16xi32, #tpu.memory_space<smem>>
    %get3A_43 = arith.index_cast %get3A_42 : i32 to index
    %get3A_44 = arith.constant 0 : index
    %get3A_45 = vector.load %arg12[%get3A_43, %get3A_44] : memref<10x8xf32, #tpu.memory_space<vmem>>, vector<1x8xf32>
    %get3A_46 = arith.constant 0 : index
    %get3A_47 = arith.constant 0 : index
    %get3A_48 = vector.load %arg5[%get3A_46, %get3A_47] : memref<2048x32xf32, #tpu.memory_space<vmem>>, vector<2048x32xf32>
    %get3A_49 = arith.constant 0 : index
    %get3A_50 = arith.constant 0 : index
    %get3A_51 = vector.load %arg6[%get3A_49, %get3A_50] : memref<2048x32xf32, #tpu.memory_space<vmem>>, vector<2048x32xf32>
    %get3A_52 = arith.constant 0 : index
    %get3A_53 = arith.constant 0 : index
    %get3A_54 = vector.load %arg7[%get3A_52, %get3A_53] : memref<2048x32xf32, #tpu.memory_space<vmem>>, vector<2048x32xf32>
    %get3A_55 = arith.constant 0 : index
    %get3A_56 = arith.constant 0 : index
    %get3A_57 = vector.load %arg8[%get3A_55, %get3A_56] : memref<2048x32xf32, #tpu.memory_space<vmem>>, vector<2048x32xf32>
    %broadcast_in_dim3A_58 = vector.shape_cast %get3A_35 : vector<1x16xf32> to vector<1x16xf32>
    %broadcast_in_dim3A_59 = vector.broadcast %broadcast_in_dim3A_58 : vector<1x16xf32> to vector<2048x16xf32>
    %broadcast_in_dim3A_60 = vector.shape_cast %get3A_40 : vector<1x8xf32> to vector<1x8xf32>
    %broadcast_in_dim3A_61 = vector.broadcast %broadcast_in_dim3A_60 : vector<1x8xf32> to vector<2048x8xf32>
    %broadcast_in_dim3A_62 = vector.shape_cast %get3A_45 : vector<1x8xf32> to vector<1x8xf32>
    %broadcast_in_dim3A_63 = vector.broadcast %broadcast_in_dim3A_62 : vector<1x8xf32> to vector<2048x8xf32>
    %concatenate3A = tpu.concatenate %div3A_30, %get3A_48, %get3A_51, %get3A_54, %get3A_57, %broadcast_in_dim3A_59, %broadcast_in_dim3A_61, %broadcast_in_dim3A_63 in 1 : vector<2048x256xf32>, vector<2048x32xf32>, vector<2048x32xf32>, vector<2048x32xf32>, vector<2048x32xf32>, vector<2048x16xf32>, vector<2048x8xf32>, vector<2048x8xf32> -> vector<2048x416xf32>
    %swap3A = arith.constant 0 : index
    %swap3A_64 = arith.constant 0 : index
    %swap3A_65 = vector.load %arg13[%swap3A, %swap3A_64] : memref<2048x416xf32, #tpu.memory_space<vmem>>, vector<2048x416xf32>
    tpu.vector_store %arg13[%swap3A, %swap3A_64], %concatenate3A {strides = array<i32>} : memref<2048x416xf32, #tpu.memory_space<vmem>>, vector<2048x416xf32>,
    return
  }
  func.func @transform_0(%arg0: i32, %arg1: memref<16xi32, #tpu.memory_space<smem>>, %arg2: memref<16xi32, #tpu.memory_space<smem>>, %arg3: memref<16xi32, #tpu.memory_space<smem>>) -> (i32, i32) {
    %c0_i32 = arith.constant 0 : i32
    %c0_i32_0 = arith.constant 0 : i32
    return %arg0, %c0_i32 : i32, i32
  }
  func.func @transform_1(%arg0: i32, %arg1: memref<16xi32, #tpu.memory_space<smem>>, %arg2: memref<16xi32, #tpu.memory_space<smem>>, %arg3: memref<16xi32, #tpu.memory_space<smem>>) -> (i32, i32) {
    %c0_i32 = arith.constant 0 : i32
    %c0_i32_0 = arith.constant 0 : i32
    return %arg0, %c0_i32 : i32, i32
  }
  func.func @transform_2(%arg0: i32, %arg1: memref<16xi32, #tpu.memory_space<smem>>, %arg2: memref<16xi32, #tpu.memory_space<smem>>, %arg3: memref<16xi32, #tpu.memory_space<smem>>) -> (i32, i32) {
    %c0_i32 = arith.constant 0 : i32
    %c0_i32_0 = arith.constant 0 : i32
    return %arg0, %c0_i32 : i32, i32
  }
  func.func @transform_3(%arg0: i32, %arg1: memref<16xi32, #tpu.memory_space<smem>>, %arg2: memref<16xi32, #tpu.memory_space<smem>>, %arg3: memref<16xi32, #tpu.memory_space<smem>>) -> (i32, i32) {
    %c0_i32 = arith.constant 0 : i32
    %c0_i32_0 = arith.constant 0 : i32
    return %arg0, %c0_i32 : i32, i32
  }
  func.func @transform_4(%arg0: i32, %arg1: memref<16xi32, #tpu.memory_space<smem>>, %arg2: memref<16xi32, #tpu.memory_space<smem>>, %arg3: memref<16xi32, #tpu.memory_space<smem>>) -> (i32, i32) {
    %c0_i32 = arith.constant 0 : i32
    %c0_i32_0 = arith.constant 0 : i32
    return %arg0, %c0_i32 : i32, i32
  }
  func.func @transform_5(%arg0: i32, %arg1: memref<16xi32, #tpu.memory_space<smem>>, %arg2: memref<16xi32, #tpu.memory_space<smem>>, %arg3: memref<16xi32, #tpu.memory_space<smem>>) -> (i32, i32) {
    %c0_i32 = arith.constant 0 : i32
    %c0_i32_0 = arith.constant 0 : i32
    %c0_i32_1 = arith.constant 0 : i32
    return %c0_i32, %c0_i32_0 : i32, i32
  }
  func.func @transform_6(%arg0: i32, %arg1: memref<16xi32, #tpu.memory_space<smem>>, %arg2: memref<16xi32, #tpu.memory_space<smem>>, %arg3: memref<16xi32, #tpu.memory_space<smem>>) -> (i32, i32) {
    %c0_i32 = arith.constant 0 : i32
    %c0_i32_0 = arith.constant 0 : i32
    %c0_i32_1 = arith.constant 0 : i32
    return %c0_i32, %c0_i32_0 : i32, i32
  }
  func.func @transform_7(%arg0: i32, %arg1: memref<16xi32, #tpu.memory_space<smem>>, %arg2: memref<16xi32, #tpu.memory_space<smem>>, %arg3: memref<16xi32, #tpu.memory_space<smem>>) -> (i32, i32) {
    %c0_i32 = arith.constant 0 : i32
    %c0_i32_0 = arith.constant 0 : i32
    %c0_i32_1 = arith.constant 0 : i32
    return %c0_i32, %c0_i32_0 : i32, i32
  }
  func.func @transform_8(%arg0: i32, %arg1: memref<16xi32, #tpu.memory_space<smem>>, %arg2: memref<16xi32, #tpu.memory_space<smem>>, %arg3: memref<16xi32, #tpu.memory_space<smem>>) -> (i32, i32) {
    %c0_i32 = arith.constant 0 : i32
    %c0_i32_0 = arith.constant 0 : i32
    %c0_i32_1 = arith.constant 0 : i32
    return %c0_i32, %c0_i32_0 : i32, i32
  }
  func.func @transform_9(%arg0: i32, %arg1: memref<16xi32, #tpu.memory_space<smem>>, %arg2: memref<16xi32, #tpu.memory_space<smem>>, %arg3: memref<16xi32, #tpu.memory_space<smem>>) -> (i32, i32) {
    %c0_i32 = arith.constant 0 : i32
    %c0_i32_0 = arith.constant 0 : i32
    return %arg0, %c0_i32 : i32, i32
  }
}

</mosaic_0001>

<sc_bundles>
// kernel: sparse-core-data-format-call.cloned.1.call-start
scs
called_computation_lowered:
.L_overlay_start_0:
0x0: {  	s2 =	sld [smem:$0x3FD9]  }
0x1: {  	s3 =	sld [smem:$0x3FFE];
	_ =	sdelay $0x1  }
0x2: {  	s1 =	srdreg.scid  }
0x3: {  	s0 =	sand.u32 $0x1, s1  }
0x4: {  	s18 =	sshll.u32 s0, $0xA;
	s2 =	sadd.s32 s3, s2  }
0x5: {  	s2 =	sadd.s32 s2, s18  }
0x6: {  	[smem:$0x3FBC] =	sst s2  }
0x7: {  	_ = 	snop  }
0x8: {  	s2 =	sld [smem:$0x3FD0];
	(tm) =	ssettm $0x1  }
0x9: {  	s19 =	sld [smem:$0x3FFB];
	_ =	sdelay $0x3  }
0xa: {  	_ =	strace s19  }
0xb: {  	s3 =	sld [smem:$0x3FFC];
	_ =	sdelay $0x3  }
0xc: {  	_ =	strace s3  }
0xd: {  	s3 =	sld [smem:$0x3FFD];
	_ =	sdelay $0x3  }
0xe: {  	_ =	strace s3  }
0xf: {  	_ =	strace $0x8FFFFFFF  }
0x10: {  	s20 =	sld [smem:$0x3FDB];
	_ =	sdelay $0x1  }
0x11: {  	s4 =	simm.s32 $_scs_section_size  }
0x12: {  	s5 =	simm.s32 $_size__tile_overlayer_lowered;
	s6 =	simm.s32 $_tile_overlayer_lowered  }
0x13: {  	s23 =	simm.s32 $0x1BFF;
	s22 =	sshll.u32 s6, $0x1;
	s3 =	sadd.s32 s4, s20  }
0x14: {  	s7 =	simm.s32 $0x0;
	s21 =	sshll.u32 s5, $0x1;
	s5 =	sadd.s32 s22, s3  }
0x15: {  	[timem:s7], [sflag:s23] =	dma.local [hbm:s5], s21  }
0x16: {  	_ =	swait.ge [sflag:s23], s21  }
0x17: {  	s4 =	ssub.s32 $0x0, s21;
	[sflag:s23] =	ssyncset.done $0x0  }
0x18: {  	[sflag:s23] =	ssyncadd.s32 s4;
	_ =	sdelay $0x1  }
0x19: {  	s24 =	simm.s32 $0x1B8B  }
0x1a: {  	_ =	swait.ge [sflag:s24], $0x1  }
0x1b: {  	[sflag:s24] =	ssyncset.done $0x0  }
0x1c: {  	s26 =	simm.s32 $0x1B8E;
	s25 =	sld [smem:$0x3FFE];
	[sflag:s24] =	ssyncadd.s32 $0xFFFFFFFF  }
0x1d: {  	s27 =	simm.s32 $execute0_lowered;
	[smem:$0x3FD2] =	sst s26  }
0x1e: {  	s5 =	sshll.u32 s27, $0x1;
	_ =	strace $0x80000046;
	[dreg:$0x1] =	wrdreg $0xFFFFFFFF  }
0x1f: {  	s28 =	simm.s32 $_size_execute0_lowered;
	s3 =	sadd.s32 s3, s5;
	[dreg:$0x0] =	wrdreg $0x0  }
0x20: {  	s5 =	sshll.u32 s28, $0x1;
	[dreg:$0x2] =	wrdreg s3  }
0x21: {  	[dreg:$0x3] =	wrdreg s5  }
0x22: {  	[dreg:$0x4] =	wrdreg $0xC0  }
0x23: {  	_ =	task [dreg:s7], $0x5FFFF  }
0x24: {  	[dreg:$0x1] =	wrdreg $0xFFFFFFFF  }
0x25: {  	[dreg:$0x0] =	wrdreg $0x60  }
0x26: {  	[dreg:$0x2] =	wrdreg s25  }
0x27: {  	[dreg:$0x3] =	wrdreg s2  }
0x28: {  	[dreg:$0x4] =	wrdreg $0x9  }
0x29: {  	_ =	task.clear_ibuf [dreg:s7], $0x5FFFF;
	_ =	strace $0x90000046  }
0x2a: {  	s29 =	simm.s32 $0x9;
	_ =	strace $0x80000048  }
0x2b: {  	_ =	swait.ge [sflag:s29], $0x1  }
0x2c: {  	[sflag:s29] =	ssyncadd.s32 $0xFFFFFFFF  }
0x2d: {  	_ =	strace $0x90000048  }
0x2e: {  	_ =	sfence  }
0x2f: {  	s30 =	sld [smem:$0x0];
	_ =	sdelay $0x2  }
0x30: {  	s31 =	sshll.u32 s1, $0xD;
	s1 =	sshrl.u32 s1, $0x2  }
0x31: {  	s3 =	sand.u32 $0x4000, s31;
	s1 =	sadd.s32 s1, s30  }
0x32: {  	s0 =	sor.u32 s3, s0;
	s1 =	sshll.u32 s1, $0x11  }
0x33: {  	s0 =	sor.u32 s1, s0  }
0x34: {  	s0 =	sadd.s32 $0x8F2B, s0  }
0x35: {  	[sflag:s0] =	ssyncadd.remote.s32 $0x1  }
0x36: {  	_ =	sfence.sel $0xFFFF  }
0x37: {  	[dreg:$0x0] =	wrdreg $0xFFFFFFFF;
	(pc) =	sbr.abs _section_cstart, $3  }
0x38: {  	[dreg:$0x1] =	wrdreg $0xFFFFFFFF  }
0x39: {  	_ =	task.clear_ibuf [dreg:s7], $0x2FFFF;
	_ =	strace $0x9FFFFFFF  }
0x3a: {  	(tm) =	ssettm $0x7FFFFFFF  }
0x3b: {  	_ =	shalt  }
tec
execute0_lowered:
.L_overlay_start_1:
0x0: {  	(tag) =	ssettag $0x1  }
0x1: {  	s3 =	rddreg [dreg:$0x0]  }
0x2: {  	s0 =	srdreg.scid;
	s1 =	rddreg [dreg:$0x1]  }
0x3: {  	s5 =	simm.s32 $0x1;
	s7 =	simm.s32 $0x2;
	s16 =	simm.s32 $0x0  }
0x4: {  	p0 =	por $0x0, $0x0;
	s8 =	simm.s32 $0x4000;
	s17 =	simm.s32 $0x0  }
0x5: {  	s18 =	simm.s32 $0x0;
	s9 =	simm.s32 $0x0;
	s0 =	sshll.u32 s0, $0x7  }
0x6: {  	s10 =	simm.s32 $0x0;
	s11 =	simm.s32 $0x0;
	s2 =	sand.u32 $0x80, s0  }
0x7: {  	s12 =	simm.s32 $0x0;
	s14 =	stileid.u32;
	s6 =	ssub.s32 $0x800, s2  }
.Ltmp0:
0x8: {  	s15 =	simm.s32 $0x0;
	s31 =	sshrl.u32 s6, $0x7;
	(pc) =	sbr.rel .LBB1_1-.Ltmp0, $4  }
0x9: {  	s4 =	sadd.s32 $0x101400, s3;
	s6 =	sshrl.u32 s6, $0x8;
	s3 =	sand.u32 $0x1, s31  }
0xa: {  	s0 =	rddreg [dreg:$0x2];
	_ =	strace $0x80000047;
	s6 =	sadd.s32 s6, s3  }
0xb: {  	[sflag:s5] =	ssyncpa.u1 $0x0;
	s13 =	smov.u32 s2;
	s6 =	sshll.u32 s6, $0x2  }
0xc: {  	[sflag:s7] =	ssyncpa.u1 $0x0;
	s3 =	stileid.u32;
	s7 =	sor.u32 $0x1, s6  }
.LBB1_4:
0xd: {  	s23 =	sshra.s32 s23, $0x2;
	s30 =	sshll.u32 s9, $0xB  }
0xe: {  	p1 =	sgt.s32 s11, $0xF;
	s24 =	smov.u32 s11;
	s25 =	sshra.s32 s11, $0x1F  }
0xf: {  	s26 =	sshll.u32 s10, $0x3;
	s28 =	smov.u32 s10;
	s29 =	sshra.s32 s10, $0x1F  }
0x10: {  	s22 =	sadd.s32 s23, s22;
	s24 =	simm.s32 @!p1 $0xF;
	s25 =	sand.u32 s25, s11  }
0x11: {  	s23 =	sand.u32 $0xFFFFC000, s30;
	s27 =	sand.u32 $0xFFFFFC00, s26;
	p1 =	sgt.s32 s9, $0x120  }
0x12: {  	s31 =	sand.u32 s29, s10;
	s29 =	sshll.u32 s9, $0x7;
	s30 =	sshra.s32 s9, $0x1F  }
0x13: {  	[tilespmem:s21+$0x2040 ss:$0x81] =	vst.msk $0xffff, v4;
	s24 =	ssub.s32 s24, s25;
	s23 =	sadd.s32 s27, s23;
	s27 =	smov.u32 s9  }
0x14: {  	[tilespmem:s21+$0x2850 ss:$0x81] =	vst.msk $0xffff, v3;
	s29 =	sand.u32 $0x380, s29;
	s25 =	sadd.s32 $0xFFFFFFF1, s24;
	s27 =	simm.s32 @!p1 $0x120  }
0x15: {  	v5 =	vld [tilespmem:s20+$0xFFFFFFD0];
	[tilespmem:s21+$0x3060 ss:$0x81] =	vst.msk $0xffff, v2;
	p1 =	sgt.s32 s10, $0x780;
	s23 =	sshrl.u32 s23, $0xB;
	s24 =	ssub.s32 $0x10, s24  }
0x16: {  	v58 =	vld [tilespmem:s20+$0xFFFFFFE0];
	[tilespmem:s21+$0x0 ss:$0x81] =	vst.msk $0xffff, v1;
	s28 =	simm.s32 @!p1 $0x780;
	p1 =	sgt.s32 s25, $0x0;
	s21 =	smulhi.u32 $0x9D89D9, s23  }
0x17: {  	v59 =	vld [tilespmem:s20+$0xFFFFFFF0];
	s25 =	ssub.s32 s28, s31;
	s28 =	sand.u32 s30, s9;
	s24 =	simm.s32 @p1 $0x0  }
0x18: {  	v60 =	vld [tilespmem:s20+$0x0];
	s27 =	ssub.s32 s27, s28;
	s31 =	sadd.s32 $0xFFFFF880, s25;
	s25 =	ssub.s32 $0x800, s25  }
0x19: {  	v61 =	vld [tilespmem:s20+$0x10];
	[tilespmem:s22+$0x3870 ss:$0x81] =	vst.msk $0xffff, v0;
	s21 =	smul.u32 $0x1A0, s21;
	s28 =	sand.u32 $0x7, s10;
	p1 =	sgt.s32 s31, $0x7F  }
0x1a: {  	v62 =	vld [tilespmem:s20+$0x20];
	[tilespmem:s22+$0x810 ss:$0x81] =	vst.msk $0xffff, v5;
	s30 =	sadd.s32 $0xFFFFFEE0, s27;
	s31 =	sand.u32 $0x78, s10;
	s25 =	simm.s32 @p1 $0x0  }
0x1b: {  	v63 =	vld [tilespmem:s20+$0xFFFFFFC0];
	[tilespmem:s22+$0x1020 ss:$0x81] =	vst.msk $0xffff, v58;
	p1 =	sgt.s32 s30, $0x7F;
	s30 =	sand.u32 $0x400, s26;
	s24 =	smul.u32 s24, s25  }
0x1c: {  	[tilespmem:s22+$0x1830 ss:$0x81] =	vst.msk $0xffff, v59;
	s26 =	ssub.s32 $0x1A0, s27;
	s20 =	sor.u32 s31, s30;
	s31 =	smul.u32 $0x1A000, s11  }
0x1d: {  	[tilespmem:s22+$0x2040 ss:$0x81] =	vst.msk $0xffff, v60;
	s21 =	ssub.s32 s23, s21;
	s26 =	simm.s32 @p1 $0x0;
	s20 =	sor.u32 s29, s20  }
0x1e: {  	[tilespmem:s22+$0x2850 ss:$0x81] =	vst.msk $0xffff, v61;
	s26 =	smul.u32 s26, s24;
	s20 =	sshrl.u32 s20, $0x3;
	s27 =	sadd.s32 s1, s31  }
0x1f: {  	[tilespmem:s22+$0x3060 ss:$0x81] =	vst.msk $0xffff, v62;
	s21 =	sshll.u32 s21, $0x8;
	s29 =	sshll.u32 s28, $0x12;
	s20 =	sadd.s32 s20, s27  }
0x20: {  	[tilespmem:s22+$0x0 ss:$0x81] =	vst.msk $0xffff, v63;
	s31 =	sor.u32 $0x400, s29;
	s30 =	sand.u32 $0x3FFFFFFF, s26;
	s20 =	sadd.s32 s21, s20  }
0x21: {  	[hbm4b:s20+s31] =	stream.strided.scatter [tilespmem:s19], [sflag:$0x2], s30, s8, s31, $0x20;
	[tilespmem:$0x10100] =	vst v63  }
.LBB1_5:
0x22: {  	p1 =	slt.u32 s15, $0x2  }
0x23: {  	p2 =	sgt.s32 @!p1 s18, $0xF  }
0x24: {  	s19 =	smov.u32 s18;
	s20 =	sshra.s32 @!p1 s18, $0x1F;
	p2 =	por !p2, p1  }
0x25: {  	s18 =	sand.u32 @!p1 s20, s18;
	s19 =	simm.s32 @p2 $0xF  }
0x26: {  	p3 =	sgt.s32 @!p1 s17, $0x780;
	s18 =	ssub.s32 @!p1 s19, s18  }
0x27: {  	p3 =	por !p3, p1;
	s20 =	sshra.s32 @!p1 s17, $0x1F;
	s19 =	sadd.s32 @!p1 $0xFFFFFFF1, s18  }
0x28: {  	s18 =	ssub.s32 @!p1 $0x10, s18;
	p2 =	sgt.s32 @!p1 s19, $0x0;
	s19 =	smov.u32 s17  }
0x29: {  	s17 =	sand.u32 @!p1 s20, s17;
	s19 =	simm.s32 @p3 $0x780;
	p3 =	sgt.s32 @!p1 s16, $0x120  }
0x2a: {  	s20 =	smov.u32 s16;
	p2 =	por !p2, p1;
	p3 =	por !p3, p1  }
0x2b: {  	s17 =	ssub.s32 @!p1 s19, s17;
	s19 =	sshra.s32 @!p1 s16, $0x1F;
	s18 =	simm.s32 @!p2 $0x0  }
0x2c: {  	s20 =	simm.s32 @p3 $0x120;
	s16 =	sand.u32 @!p1 s19, s16;
	s19 =	sadd.s32 @!p1 $0xFFFFF880, s17  }
0x2d: {  	s17 =	ssub.s32 @!p1 $0x800, s17;
	s16 =	ssub.s32 @!p1 s20, s16;
	p2 =	sgt.s32 @!p1 s19, $0x7F  }
0x2e: {  	s20 =	smov.u32 s13;
	s19 =	sadd.s32 @!p1 $0xFFFFFEE0, s16;
	p2 =	por !p2, p1  }
0x2f: {  	s16 =	ssub.s32 @!p1 $0x1A0, s16;
	p3 =	sgt.s32 @!p1 s19, $0x7F;
	s17 =	simm.s32 @!p2 $0x0  }
0x30: {  	s19 =	sadd.s32 $0x80, s12;
	p2 =	por !p3, p1;
	s17 =	smul.u32 @!p1 s18, s17  }
0x31: {  	s18 =	sadd.s32 $0x100, s13;
	s16 =	simm.s32 @!p2 $0x0;
	p2 =	sgt.s32 s19, $0x19F  }
0x32: {  	s21 =	smov.u32 s14;
	s20 =	smov.u32 @p2 s18  }
0x33: {  	s16 =	smul.u32 @!p1 s16, s17;
	s17 =	sadd.s32 $0x10, s14;
	p3 =	sgt.s32 s20, $0x7FF  }
0x34: {  	p0 =	por !p0, !p0;
	s22 =	simm.s32 @!p1 $0x2;
	s21 =	smov.u32 @p3 s17  }
0x35: {  	s19 =	simm.s32 @p2 $0x0;
	s18 =	smov.u32 s11;
	p2 =	sgt.s32 s21, $0xF  }
0x36: {  	s11 =	smov.u32 s14;
	s21 =	smov.u32 @p2 s3;
	p2 =	sne.s32 s15, s7  }
.Ltmp1:
0x37: {  	s16 =	sand.u32 @!p1 $0x3FFFFFFF, s16;
	s20 =	smov.u32 @p3 s2;
	(pc) =	sbr.rel @!p2 .LBB1_6-.Ltmp1, $4  }
0x38: {  	s17 =	smov.u32 s10;
	s10 =	smov.u32 s13;
	_ =	swait.ge @!p1 [sflag:s22], s16  }
0x39: {  	s23 =	ssub.s32 @!p1 $0x0, s16;
	s16 =	smov.u32 s9;
	s9 =	smov.u32 s12  }
0x3a: {  	s12 =	smov.u32 s19;
	s13 =	smov.u32 s20;
	[sflag:s22] =	ssyncset.done @!p1 $0x0  }
0x3b: {  	s15 =	sadd.s32 $0x1, s15;
	[sflag:s22] =	ssyncadd.s32 @!p1 s23;
	s14 =	smov.u32 s21  }
.LBB1_1:
0x3c: {  	p1 =	sge.u32 s15, s6  }
0x3d: {  	s31 =	sadd.s32 $0xFFFFFFFF, s15;
	s19 =	sxor.u32 @!p1 $0xFFFFFFFF, s15  }
0x3e: {  	s20 =	sshll.u32 @!p1 s13, $0x9;
	s21 =	sshll.u32 @!p1 s12, $0x3;
	s22 =	sshll.u32 @!p1 s13, $0x7  }
0x3f: {  	s23 =	sand.u32 @!p1 $0x78, s12;
	s20 =	sand.u32 @!p1 $0xFF000, s20;
	s21 =	sand.u32 @!p1 $0xFFC00, s21  }
0x40: {  	s19 =	sshll.u32 @!p1 s19, $0xE;
	s20 =	sadd.s32 @!p1 s20, s21;
	s21 =	sand.u32 @!p1 $0x200, s22  }
0x41: {  	s19 =	sand.u32 @!p1 $0x4000, s19;
	s20 =	sor.u32 @!p1 s21, s20;
	s21 =	sand.u32 @!p1 $0x180, s22  }
0x42: {  	s22 =	sshll.u32 @!p1 s14, $0x11;
	s21 =	sor.u32 @!p1 s23, s21;
	s20 =	sshrl.u32 @!p1 s20, $0x3  }
0x43: {  	s22 =	sadd.s32 @!p1 s4, s22;
	s23 =	sand.u32 @!p1 $0x7, s12;
	s21 =	sshrl.u32 @!p1 s21, $0x3  }
0x44: {  	s20 =	sand.u32 @!p1 $0x1FFC0, s20;
	s21 =	sadd.s32 @!p1 s21, s22;
	s22 =	sshll.u32 @!p1 s23, $0x12  }
0x45: {  	s20 =	sadd.s32 @!p1 s20, s21;
	s21 =	sor.u32 @!p1 $0x400, s22;
	s22 =	simm.s32 @!p1 $0x1000  }
0x46: {  	[tilespmem:s19], [sflag:$0x1] =	stream.strided.gather @!p1 [hbm4b:s20+s21], $0x4000, s22, s21, $0x38;
	[tilespmem:$0x10100] =	vst v63  }
0x47: {  	p1 =	sge.u32 s31, s6  }
.Ltmp2:
0x48: {  	_ = 	snop;
	(pc) =	sbr.rel @p1 .LBB1_5-.Ltmp2, $1  }
0x49: {  	_ =	sdelay $0x3  }
0x4a: {  	s19 =	simm.s32 $0x1  }
0x4b: {  	_ =	swait.ge [sflag:s5], $0x4000;
	s19 =	simm.s32 @!p0 $0x0  }
0x4c: {  	[sflag:s5] =	ssyncset.done $0x0;
	s20 =	sshll.u32 s19, $0xE  }
0x4d: {  	[sflag:s5] =	ssyncadd.s32 $0xFFFFC000;
	s20 =	sor.u32 $0x40, s20  }
0x4e: {  	s19 =	smul.u32 $0x10200, s19;
	v0 =	vld [tilespmem:s20+$0x30]  }
0x4f: {  	v1 =	vld [tilespmem:s20+$0xFFFFFFD0]  }
0x50: {  	s19 =	sshrl.u32 s19, $0x2;
	v5 =	vld [tilespmem:s20+$0xFFFFFFE0]  }
0x51: {  	v6 =	vld [tilespmem:s20+$0xFFFFFFF0];
	s22 =	sor.u32 $0x8000, s19  }
0x52: {  	s31 =	sand.u32 $0x1, s15;
	v4 =	vld [tilespmem:s20+$0x0];
	s21 =	sadd.s32 $0x0, s22  }
0x53: {  	v3 =	vld [tilespmem:s20+$0x10];
	s19 =	smul.u32 $0x10200, s31;
	[tilespmem:s21+$0x3870 ss:$0x81] =	vst.msk $0xffff, v0  }
0x54: {  	v2 =	vld [tilespmem:s20+$0x20];
	[tilespmem:s21+$0x810 ss:$0x81] =	vst.msk $0xffff, v1  }
0x55: {  	s19 =	sshrl.u32 s19, $0x2;
	v1 =	vld [tilespmem:s20+$0xFFFFFFC0];
	[tilespmem:s21+$0x1020 ss:$0x81] =	vst.msk $0xffff, v5;
	s20 =	sadd.s32 $0x80, s20  }
0x56: {  	s23 =	simm.s32 $0x4;
	s24 =	simm.s32 $0x8;
	s19 =	sor.u32 $0x8000, s19;
	[tilespmem:s21+$0x1830 ss:$0x81] =	vst.msk $0xffff, v6;
	v0 =	vld [tilespmem:s20+$0x30]  }
.LBB1_3:
0x57: {  	p1 =	sne.s32 s24, $0x1FC;
	v5 =	vld [tilespmem:s20+$0xFFFFFFD0];
	[tilespmem:s21+$0x2040 ss:$0x81] =	vst.msk $0xffff, v4  }
0x58: {  	v6 =	vld [tilespmem:s20+$0xFFFFFFE0];
	[tilespmem:s21+$0x2850 ss:$0x81] =	vst.msk $0xffff, v3  }
0x59: {  	s25 =	sshra.s32 s23, $0x2;
	s23 =	smov.u32 s24;
	v7 =	vld [tilespmem:s20+$0xFFFFFFF0];
	[tilespmem:s21+$0x3060 ss:$0x81] =	vst.msk $0xffff, v2  }
.Ltmp3:
0x5a: {  	v4 =	vld [tilespmem:s20+$0x0];
	[tilespmem:s21+$0x0 ss:$0x81] =	vst.msk $0xffff, v1;
	s21 =	sadd.s32 s25, s22;
	(pc) =	sbr.rel @p1 .LBB1_3-.Ltmp3, $4  }
0x5b: {  	v3 =	vld [tilespmem:s20+$0x10];
	[tilespmem:s21+$0x3870 ss:$0x81] =	vst.msk $0xffff, v0  }
0x5c: {  	[tilespmem:s21+$0x810 ss:$0x81] =	vst.msk $0xffff, v5;
	v2 =	vld [tilespmem:s20+$0x20]  }
0x5d: {  	v1 =	vld [tilespmem:s20+$0xFFFFFFC0];
	[tilespmem:s21+$0x1020 ss:$0x81] =	vst.msk $0xffff, v6;
	s20 =	sadd.s32 $0x80, s20  }
0x5e: {  	s24 =	sadd.s32 $0x4, s24;
	v0 =	vld [tilespmem:s20+$0x30];
	[tilespmem:s21+$0x1830 ss:$0x81] =	vst.msk $0xffff, v7  }
.Ltmp4:
0x5f: {  	_ = 	snop;
	(pc) =	sbr.rel .LBB1_4-.Ltmp4, $1  }
0x60: {  	_ =	sdelay $0x3  }
.LBB1_6:
0x61: {  	_ =	sfence.sel $0x180000  }
0x62: {  	s1 =	simm.s32 $0x1;
	[bflag:$0x0] =	sbarrier.arrive $0xFFFF  }
0x63: {  	s31 =	simm.s32 $0x2;
	[sflag:s1] =	ssyncpa.u1 $0x1  }
0x64: {  	[sflag:s31] =	ssyncpa.u1 $0x1  }
0x65: {  	p0 =	sne.s32 s3, $0x0;
	_ =	strace $0x90000047  }
0x66: {  	s0 =	sadd.s32 @!p0 $0x100000, s0;
	[bflag:$0x2] =	sbarrier.arrive $0xFFFF  }
0x67: {  	[sflag:s0] =	ssyncadd.tile.s32 @!p0 $0x1;
	_ =	shalt  }
.Lfunc_end1:
_tile_overlayer_lowered:
.L_overlay_start_2:
0x68: {  	(tag) =	ssettag $0x2  }
0x69: {  	s0 =	rddreg [dreg:$0x0];
	s2 =	stileid.u32  }
0x6a: {  	s1 =	rddreg [dreg:$0x1];
	p0 =	sne.s32 s2, $0x0  }
0x6b: {  	s3 =	rddreg [dreg:$0x2];
	[bflag:$0x3] =	sbarrier.arrive $0xFFFF;
	s2 =	simm.s32 @!p0 $0x1C01  }
0x6c: {  	[timem:s3], [sflag:s2] =	dma.local @!p0 [hbm:s0], s1  }
0x6d: {  	s0 =	simm.s32 @!p0 $0x1  }
0x6e: {  	_ =	swait.ge @!p0 [sflag:s0], s1  }
0x6f: {  	s1 =	ssub.s32 @!p0 $0x0, s1;
	[sflag:s0] =	ssyncset.done @!p0 $0x0  }
0x70: {  	[sflag:s0] =	ssyncadd.s32 @!p0 s1  }
0x71: {  	[bflag:$0x3] =	sbarrier.arrive $0xFFFF  }
0x72: {  	_ =	shalt  }

</sc_bundles>
